<compile_context>
chip_gen: v7x
topology: tpu7x:2x2x1
jax: 0.10.2.dev20260603
libtpu: 0.0.44.dev20260713+nightly
codegen_flags: <defaults>
</compile_context>

<pallas_src>
import functools

import jax
import jax.numpy as jnp
from jax import lax
from jax.experimental import pallas as pl
from jax.experimental.pallas import tpu as pltpu
from jax.experimental.pallas import tpu_sc as plsc

_B = 8
_N = 8192
_S = 512
_K = 32
_R2 = 0.2 ** 2

_QBLK = 128
_D_PAD = 80

_NW = 32
_GROWS = _B * _S + _B * _S * _K
_RPW = _GROWS // _NW
_GCHUNK = 128
_GSTEPS = _RPW // _GCHUNK


def _fps_body(x_ref, y_ref, z_ref, idx_ref, cx_ref, cy_ref, cz_ref,
              dist_scr, far_scr):
    s = pl.program_id(0)

    @pl.when(s == 0)
    def _():
        dist_scr[...] = jnp.full((_B, _N), 1e10, jnp.float32)
        far_scr[...] = jnp.zeros((_B, 1), jnp.int32)

    far = far_scr[...]
    x = x_ref[...].reshape(_B, _N)
    y = y_ref[...].reshape(_B, _N)
    z = z_ref[...].reshape(_B, _N)
    iota = lax.broadcasted_iota(jnp.int32, (_B, _N), 1)
    onehot = (iota == far).astype(jnp.float32)
    cx = jnp.sum(x * onehot, axis=1, keepdims=True)
    cy = jnp.sum(y * onehot, axis=1, keepdims=True)
    cz = jnp.sum(z * onehot, axis=1, keepdims=True)

    idx_ref[pl.ds(s, 1), :] = jnp.transpose(far)
    cx_ref[pl.ds(s, 1), :] = jnp.transpose(cx)
    cy_ref[pl.ds(s, 1), :] = jnp.transpose(cy)
    cz_ref[pl.ds(s, 1), :] = jnp.transpose(cz)

    dx = x - cx
    dy = y - cy
    dz = z - cz
    d = dx * dx + dy * dy
    d = d + dz * dz
    dist = jnp.minimum(dist_scr[...], d)
    dist_scr[...] = dist
    m = jnp.max(dist, axis=1, keepdims=True)
    far_scr[...] = jnp.min(jnp.where(dist == m, iota, _N), axis=1,
                           keepdims=True)


def _fps(x3, y3, z3):
    full = pl.BlockSpec((_B, 1, _N), lambda s: (0, 0, 0))
    acc = pl.BlockSpec((_S, _B), lambda s: (0, 0))
    out2 = jax.ShapeDtypeStruct((_S, _B), jnp.float32)
    return pl.pallas_call(
        _fps_body,
        grid=(_S,),
        in_specs=[full, full, full],
        out_specs=[acc, acc, acc, acc],
        out_shape=[jax.ShapeDtypeStruct((_S, _B), jnp.int32),
                   out2, out2, out2],
        scratch_shapes=[pltpu.VMEM((_B, _N), jnp.float32),
                        pltpu.VMEM((_B, 1), jnp.int32)],
    )(x3, y3, z3)


def _ball_body(pt_ref, q_ref, out_ref):
    pmat = pt_ref[0]
    q = q_ref[0]
    dot = jax.lax.dot_general(
        q, pmat, (((1,), (0,)), ((), ())),
        precision=jax.lax.Precision.DEFAULT,
        preferred_element_type=jnp.float32)
    qx = q[:, 0:1]
    qy = q[:, 1:2]
    qz = q[:, 2:3]
    px = pmat[0:1, :]
    py = pmat[1:2, :]
    pz = pmat[2:3, :]
    qsq = qx * qx + qy * qy
    qsq = qsq + qz * qz
    psq = px * px + py * py
    psq = psq + pz * pz
    d = (-2.0) * dot
    d = d + qsq
    d = d + psq

    iota = lax.broadcasted_iota(jnp.int32, (_QBLK, _N), 1)
    cand = jnp.where(d <= jnp.float32(_R2), iota, _N)

    out_iota = lax.broadcasted_iota(jnp.int32, (_QBLK, _K), 1)

    def step(j, carry):
        m_prev, out_c = carry
        mj = jnp.min(jnp.where(cand > m_prev, cand, _N), axis=1,
                     keepdims=True)
        out_c = jnp.where(out_iota == j, mj, out_c)
        return mj, out_c

    _, out = lax.fori_loop(0, _K, step,
                           (jnp.full((_QBLK, 1), -1, jnp.int32),
                            jnp.full((_QBLK, _K), _N, jnp.int32)))
    first = out[:, 0:1]
    out = jnp.where(out == _N, first, out)
    out_ref[...] = out[None]


def _ball(xyzT, new_xyz):
    pts = pl.BlockSpec((1, 3, _N), lambda b, q: (b, 0, 0))
    qry = pl.BlockSpec((1, _QBLK, 3), lambda b, q: (b, q, 0))
    out = pl.BlockSpec((1, _QBLK, _K), lambda b, q: (b, q, 0))
    return pl.pallas_call(
        _ball_body,
        grid=(_B, _S // _QBLK),
        in_specs=[pts, qry],
        out_specs=out,
        out_shape=jax.ShapeDtypeStruct((_B, _S, _K), jnp.int32),
    )(xyzT, new_xyz)


def _sc_gather(table, gidx):
    mesh = plsc.VectorSubcoreMesh(core_axis_name="c", subcore_axis_name="s")

    @functools.partial(
        pl.kernel,
        mesh=mesh,
        compiler_params=pltpu.CompilerParams(use_tc_tiling_on_sc=False),
        out_type=jax.ShapeDtypeStruct((_GROWS, _D_PAD), jnp.float32),
        scratch_types=[
            pltpu.VMEM((_GCHUNK,), jnp.int32),
            pltpu.VMEM((_GCHUNK, _D_PAD), jnp.float32),
            pltpu.SemaphoreType.DMA,
        ],
    )
    def k(table_hbm, idx_hbm, out_hbm, idx_v, rows_v, sem):
        wid = lax.axis_index("s") * 2 + lax.axis_index("c")
        base = wid * _RPW

        def step(i, carry):
            off = pl.multiple_of(base + i * _GCHUNK, _GCHUNK)
            pltpu.sync_copy(idx_hbm.at[pl.ds(off, _GCHUNK)], idx_v)
            pltpu.async_copy(table_hbm.at[idx_v], rows_v, sem).wait()
            pltpu.sync_copy(rows_v, out_hbm.at[pl.ds(off, _GCHUNK)])
            return carry

        lax.fori_loop(0, _GSTEPS, step, 0)

    return k(table, gidx)


def kernel(xyz, points):
    B, N, S, K = _B, _N, _S, _K
    x3 = xyz[:, :, 0].reshape(B, 1, N)
    y3 = xyz[:, :, 1].reshape(B, 1, N)
    z3 = xyz[:, :, 2].reshape(B, 1, N)

    fps_i, cx, cy, cz = _fps(x3, y3, z3)
    fps_idx = fps_i.T
    cx2 = cx.T.reshape(B, S, 1)
    cy2 = cy.T.reshape(B, S, 1)
    cz2 = cz.T.reshape(B, S, 1)
    new_xyz = jnp.concatenate([cx2, cy2, cz2], axis=-1)

    xyzT = jnp.transpose(xyz, (0, 2, 1))
    idx = _ball(xyzT, new_xyz)

    table = jnp.concatenate(
        [points.reshape(B * N, 64), xyz.reshape(B * N, 3),
         jnp.zeros((B * N, _D_PAD - 67), jnp.float32)], axis=-1)
    goff = jnp.arange(B, dtype=jnp.int32) * N
    gidx = jnp.concatenate([
        (fps_idx + goff[:, None]).reshape(-1),
        (idx + goff[:, None, None]).reshape(-1)])

    g = _sc_gather(table, gidx)

    new_points = g[:B * S, :64].reshape(B, S, 64)
    grouped = g[B * S:].reshape(B, S, K, _D_PAD)
    tiled = jnp.broadcast_to(new_points[:, :, None, :], (B, S, K, 64))
    new_points_out = jnp.concatenate([grouped[..., :67], tiled], axis=-1)
    return (new_xyz, new_points_out)

# --- scband reference (transcript-rebuilt; emitter-appended) ---
"""Pipeline reference for scband-model-76622216561223 (READ-ONLY COPY).

The authoritative reference and input builder live on the scoring server;
editing this copy changes nothing except your own understanding.
"""

import jax, jax.numpy as jnp
import numpy as np

GROUPS = 512
KNEIGHBORS = 32
RADIUS = 0.2
USE_XYZ = True


def square_distance(src, dst):
    dist = -2 * jnp.matmul(src, dst.transpose(0, 2, 1))
    dist = dist + jnp.sum(src ** 2, -1)[:, :, None]
    dist = dist + jnp.sum(dst ** 2, -1)[:, None, :]
    return dist


def index_points(points, idx):
    B = points.shape[0]
    batch = jnp.arange(B).reshape((B,) + (1,) * (idx.ndim - 1))
    return points[batch, idx]


def farthest_point_sample(xyz, npoint):
    B, N, _ = xyz.shape
    distance0 = jnp.full((B, N), 1e10, dtype=xyz.dtype)
    farthest0 = jnp.zeros((B,), dtype=jnp.int32)  # deterministic start (torch uses randint)

    def body(carry, _):
        distance, farthest = carry
        centroid = xyz[jnp.arange(B), farthest][:, None, :]
        dist = jnp.sum((xyz - centroid) ** 2, -1)
        distance = jnp.minimum(distance, dist)
        new_far = jnp.argmax(distance, -1).astype(jnp.int32)
        return (distance, new_far), farthest

    (_, _), cents = jax.lax.scan(body, (distance0, farthest0), None, length=npoint)
    return cents.T  # [B, npoint]


def query_ball_point(radius, nsample, xyz, new_xyz):
    B, N, _ = xyz.shape
    S = new_xyz.shape[1]
    group_idx = jnp.broadcast_to(jnp.arange(N, dtype=jnp.int32), (B, S, N))
    sqrdists = square_distance(new_xyz, xyz)
    group_idx = jnp.where(sqrdists > radius ** 2, N, group_idx)
    group_idx = jnp.sort(group_idx, axis=-1)[:, :, :nsample]
    group_first = jnp.broadcast_to(group_idx[:, :, 0:1], group_idx.shape)
    group_idx = jnp.where(group_idx == N, group_first, group_idx)
    return group_idx


def setup_inputs(seed: int = 0) -> dict:
    key = jax.random.key(seed)
    k1, k2 = jax.random.split(key)
    xyz = jax.random.uniform(k1, (8, 8192, 3), dtype=jnp.float32)
    points = jax.random.normal(k2, (8, 8192, 64), dtype=jnp.float32)
    return {"xyz": xyz, "points": points}


def reference(xyz, points):
    B, N, C = xyz.shape
    S = GROUPS
    fps_idx = farthest_point_sample(xyz, GROUPS)
    new_xyz = index_points(xyz, fps_idx)
    new_points = index_points(points, fps_idx)
    idx = query_ball_point(RADIUS, KNEIGHBORS, xyz, new_xyz)
    grouped_xyz = index_points(xyz, idx)
    grouped_points = index_points(points, idx)
    if USE_XYZ:
        grouped_points = jnp.concatenate([grouped_points, grouped_xyz], axis=-1)
    tiled = jnp.broadcast_to(new_points[:, :, None, :], (B, S, KNEIGHBORS, new_points.shape[-1]))
    new_points_out = jnp.concatenate([grouped_points, tiled], axis=-1)
    return (new_xyz, new_points_out)

if __name__ == "__main__":
    import jax
    _d = setup_inputs()
    print(jax.jit(kernel)(*tuple(_d.values())))

</pallas_src>

<mosaic_0001>
#map = affine_map<(d0, d1) -> (0, 0)>
#map1 = affine_map<(d0, d1) -> (0)>
module attributes {stable_mosaic.version = 14 : i64} {
  func.func @k(%arg0: i32, %arg1: i32, %arg2: memref<65536x80xf32, #tpu.memory_space<hbm>>, %arg3: memref<135168xi32, #tpu.memory_space<hbm>>, %arg4: memref<135168x80xf32, #tpu.memory_space<hbm>>, %arg5: memref<128xi32, #tpu.memory_space<vmem>>, %arg6: memref<128x80xf32, #tpu.memory_space<vmem>>, %arg7: memref<!tpu.dma_semaphore, #tpu.memory_space<semaphore_mem>>) attributes {dimension_semantics = [#tpu.dimension_semantics<core_parallel>, #tpu.dimension_semantics<subcore_parallel>], iteration_bounds = array<i64: 2, 16>, scalar_prefetch = 0 : i64, scratch_operands = 3 : i64, tpu.core_type = #tpu.core_type<sc_vector_subcore>, window_params = [{transform_indices = #map}, {transform_indices = #map1}, {transform_indices = #map}]} {
    %mul3A = arith.constant 2 : i32
    %mul3A_0 = arith.muli %arg1, %mul3A : i32
    %add3A = arith.addi %mul3A_0, %arg0 : i32
    %mul3A_1 = arith.constant 4224 : i32
    %mul3A_2 = arith.muli %add3A, %mul3A_1 : i32
    %scan3A = arith.constant 0 : i32
    %scan3A_3 = arith.constant 0 : i32
    %scan3A_4 = arith.constant 33 : i32
    %scan3A_5 = arith.addi %scan3A_3, %scan3A_4 : i32
    %scan3A_6 = arith.constant 1 : i32
    scf.for %scan3A_8 = %scan3A_3 to %scan3A_5 step %scan3A_6  : i32 {
      %mul3A_9 = arith.constant 128 : i32
      %mul3A_10 = arith.muli %scan3A_8, %mul3A_9 : i32
      %add3A_11 = arith.addi %mul3A_2, %mul3A_10 : i32
      %multiple_of3A = tpu.assume_multiple %add3A_11, 128 : i32
      "tpu.region"() ({
        %run_scoped3A = tpu.sem_alloc : memref<!tpu.dma_semaphore, #tpu.memory_space<semaphore_mem>>
        %dma_start3A_16 = tpu.memref_slice %arg3[%multiple_of3A] : memref<135168xi32, #tpu.memory_space<hbm>> -> memref<128xi32, #tpu.memory_space<hbm>>
        %dma_start3A_17 = tpu.memref_slice %arg3[%multiple_of3A] : memref<135168xi32, #tpu.memory_space<hbm>> -> memref<128xi32, #tpu.memory_space<hbm>>
        tpu.enqueue_dma source(%dma_start3A_17 : memref<128xi32, #tpu.memory_space<hbm>>) target(%arg5 : memref<128xi32, #tpu.memory_space<vmem>>) target_semaphore(%run_scoped3A : memref<!tpu.dma_semaphore, #tpu.memory_space<semaphore_mem>>)
        %dma_wait3A_18 = tpu.memref_slice %arg3[%multiple_of3A] : memref<135168xi32, #tpu.memory_space<hbm>> -> memref<128xi32, #tpu.memory_space<hbm>>
        %dma_wait3A_19 = tpu.memref_slice %arg3[%multiple_of3A] : memref<135168xi32, #tpu.memory_space<hbm>> -> memref<128xi32, #tpu.memory_space<hbm>>
        tpu.wait_dma2 semaphore(%run_scoped3A : memref<!tpu.dma_semaphore, #tpu.memory_space<semaphore_mem>>) src(%dma_wait3A_19 : memref<128xi32, #tpu.memory_space<hbm>>) dst(%arg5 : memref<128xi32, #tpu.memory_space<vmem>>)
        tpu.yield
      }) : () -> ()
      %dma_start3A = arith.constant 0 : i32
      %dma_start3A_12 = arith.constant 0 : i32
      %dma_start3A_13 = tpu.memref_slice %arg2[%dma_start3A, %dma_start3A_12] : memref<65536x80xf32, #tpu.memory_space<hbm>> -> memref<65536x80xf32, #tpu.memory_space<hbm>>
      tpu.enqueue_indirect_dma source(%dma_start3A_13 : memref<65536x80xf32, #tpu.memory_space<hbm>>) target(%arg6 : memref<128x80xf32, #tpu.memory_space<vmem>>) offsets(%arg5 : memref<128xi32, #tpu.memory_space<vmem>>) semaphore(%arg7 : memref<!tpu.dma_semaphore, #tpu.memory_space<semaphore_mem>>)
      %dma_wait3A = arith.constant 0 : i32
      %dma_wait3A_14 = arith.constant 0 : i32
      %dma_wait3A_15 = tpu.memref_slice %arg2[%dma_wait3A, %dma_wait3A_14] : memref<65536x80xf32, #tpu.memory_space<hbm>> -> memref<65536x80xf32, #tpu.memory_space<hbm>>
      tpu.wait_indirect_dma semaphore(%arg7 : memref<!tpu.dma_semaphore, #tpu.memory_space<semaphore_mem>>) src(%dma_wait3A_15 : memref<65536x80xf32, #tpu.memory_space<hbm>>) dst(%arg6 : memref<128x80xf32, #tpu.memory_space<vmem>>)
      "tpu.region"() ({
        %run_scoped3A = tpu.sem_alloc : memref<!tpu.dma_semaphore, #tpu.memory_space<semaphore_mem>>
        %dma_start3A_16 = arith.constant 0 : i32
        %dma_start3A_17 = tpu.memref_slice %arg4[%multiple_of3A, %dma_start3A_16] : memref<135168x80xf32, #tpu.memory_space<hbm>> -> memref<128x80xf32, #tpu.memory_space<hbm>>
        %dma_start3A_18 = arith.constant 0 : i32
        %dma_start3A_19 = tpu.memref_slice %arg4[%multiple_of3A, %dma_start3A_18] : memref<135168x80xf32, #tpu.memory_space<hbm>> -> memref<128x80xf32, #tpu.memory_space<hbm>>
        tpu.enqueue_dma source(%arg6 : memref<128x80xf32, #tpu.memory_space<vmem>>) target(%dma_start3A_19 : memref<128x80xf32, #tpu.memory_space<hbm>>) target_semaphore(%run_scoped3A : memref<!tpu.dma_semaphore, #tpu.memory_space<semaphore_mem>>)
        %dma_wait3A_20 = arith.constant 0 : i32
        %dma_wait3A_21 = tpu.memref_slice %arg4[%multiple_of3A, %dma_wait3A_20] : memref<135168x80xf32, #tpu.memory_space<hbm>> -> memref<128x80xf32, #tpu.memory_space<hbm>>
        %dma_wait3A_22 = arith.constant 0 : i32
        %dma_wait3A_23 = tpu.memref_slice %arg4[%multiple_of3A, %dma_wait3A_22] : memref<135168x80xf32, #tpu.memory_space<hbm>> -> memref<128x80xf32, #tpu.memory_space<hbm>>
        tpu.wait_dma2 semaphore(%run_scoped3A : memref<!tpu.dma_semaphore, #tpu.memory_space<semaphore_mem>>) src(%arg6 : memref<128x80xf32, #tpu.memory_space<vmem>>) dst(%dma_wait3A_23 : memref<128x80xf32, #tpu.memory_space<hbm>>)
        tpu.yield
      }) : () -> ()
    }
    %scan3A_7 = arith.constant 33 : i32
    return
  }
}

module attributes {stable_mosaic.version = 14 : i64} {
  func.func @_fps_body(%arg0: i32, %arg1: memref<8x1x8192xf32, #tpu.memory_space<vmem>>, %arg2: memref<8x1x8192xf32, #tpu.memory_space<vmem>>, %arg3: memref<8x1x8192xf32, #tpu.memory_space<vmem>>, %arg4: memref<512x8xi32, #tpu.memory_space<vmem>>, %arg5: memref<512x8xf32, #tpu.memory_space<vmem>>, %arg6: memref<512x8xf32, #tpu.memory_space<vmem>>, %arg7: memref<512x8xf32, #tpu.memory_space<vmem>>, %arg8: memref<8x8192xf32, #tpu.memory_space<vmem>>, %arg9: memref<8x1xi32, #tpu.memory_space<vmem>>) attributes {dimension_semantics = [#tpu.dimension_semantics<arbitrary>], iteration_bounds = array<i64: 512>, scalar_prefetch = 0 : i64, scratch_operands = 2 : i64, tpu.core_type = #tpu.core_type<tc>, window_params = [{pipeline_mode = #tpu.pipeline_mode<synchronous>, transform_indices = @transform_0, window_bounds = array<i64: 8, 1, 8192>}, {pipeline_mode = #tpu.pipeline_mode<synchronous>, transform_indices = @transform_1, window_bounds = array<i64: 8, 1, 8192>}, {pipeline_mode = #tpu.pipeline_mode<synchronous>, transform_indices = @transform_2, window_bounds = array<i64: 8, 1, 8192>}, {pipeline_mode = #tpu.pipeline_mode<synchronous>, transform_indices = @transform_3, window_bounds = array<i64: 512, 8>}, {pipeline_mode = #tpu.pipeline_mode<synchronous>, transform_indices = @transform_4, window_bounds = array<i64: 512, 8>}, {pipeline_mode = #tpu.pipeline_mode<synchronous>, transform_indices = @transform_5, window_bounds = array<i64: 512, 8>}, {pipeline_mode = #tpu.pipeline_mode<synchronous>, transform_indices = @transform_6, window_bounds = array<i64: 512, 8>}]} {
    %eq3A = arith.constant 0 : i32
    %eq3A_0 = arith.cmpi eq, %arg0, %eq3A : i32
    %convert_element_type3A = arith.extui %eq3A_0 : i1 to i32
    %cond3A = arith.constant 0 : i32
    %cond3A_1 = arith.cmpi ne, %convert_element_type3A, %cond3A : i32
    scf.if %cond3A_1 {
      %broadcast_in_dim3A_70 = arith.constant 1.000000e+10 : f32
      %broadcast_in_dim3A_71 = vector.broadcast %broadcast_in_dim3A_70 : f32 to vector<8x8192xf32>
      %swap3A_72 = arith.constant 0 : index
      %swap3A_73 = arith.constant 0 : index
      %swap3A_74 = vector.load %arg8[%swap3A_72, %swap3A_73] : memref<8x8192xf32, #tpu.memory_space<vmem>>, vector<8x8192xf32>
      tpu.vector_store %arg8[%swap3A_72, %swap3A_73], %broadcast_in_dim3A_71 {strides = array<i32>} : memref<8x8192xf32, #tpu.memory_space<vmem>>, vector<8x8192xf32>,
      %broadcast_in_dim3A_75 = arith.constant 0 : i32
      %broadcast_in_dim3A_76 = vector.broadcast %broadcast_in_dim3A_75 : i32 to vector<8x1xi32>
      %swap3A_77 = arith.constant 0 : index
      %swap3A_78 = arith.constant 0 : index
      %swap3A_79 = vector.load %arg9[%swap3A_77, %swap3A_78] : memref<8x1xi32, #tpu.memory_space<vmem>>, vector<8x1xi32>
      tpu.vector_store %arg9[%swap3A_77, %swap3A_78], %broadcast_in_dim3A_76 {strides = array<i32>} : memref<8x1xi32, #tpu.memory_space<vmem>>, vector<8x1xi32>,
    } else {
    }
    %get3A = arith.constant 0 : index
    %get3A_2 = arith.constant 0 : index
    %get3A_3 = vector.load %arg9[%get3A, %get3A_2] : memref<8x1xi32, #tpu.memory_space<vmem>>, vector<8x1xi32>
    %get3A_4 = arith.constant 0 : index
    %get3A_5 = arith.constant 0 : index
    %get3A_6 = arith.constant 0 : index
    %get3A_7 = vector.load %arg1[%get3A_4, %get3A_5, %get3A_6] : memref<8x1x8192xf32, #tpu.memory_space<vmem>>, vector<8x1x8192xf32>
    %reshape3A = vector.shape_cast %get3A_7 : vector<8x1x8192xf32> to vector<8x8192xf32>
    %get3A_8 = arith.constant 0 : index
    %get3A_9 = arith.constant 0 : index
    %get3A_10 = arith.constant 0 : index
    %get3A_11 = vector.load %arg2[%get3A_8, %get3A_9, %get3A_10] : memref<8x1x8192xf32, #tpu.memory_space<vmem>>, vector<8x1x8192xf32>
    %reshape3A_12 = vector.shape_cast %get3A_11 : vector<8x1x8192xf32> to vector<8x8192xf32>
    %get3A_13 = arith.constant 0 : index
    %get3A_14 = arith.constant 0 : index
    %get3A_15 = arith.constant 0 : index
    %get3A_16 = vector.load %arg3[%get3A_13, %get3A_14, %get3A_15] : memref<8x1x8192xf32, #tpu.memory_space<vmem>>, vector<8x1x8192xf32>
    %reshape3A_17 = vector.shape_cast %get3A_16 : vector<8x1x8192xf32> to vector<8x8192xf32>
    %iota3A = tpu.iota {dimensions = array<i32: 1>} : vector<8x8192xi32>
    %eq3A_18 = vector.broadcast %get3A_3 : vector<8x1xi32> to vector<8x8192xi32>
    %eq3A_19 = arith.cmpi eq, %iota3A, %eq3A_18 : vector<8x8192xi32>
    %convert_element_type3A_20 = arith.extui %eq3A_19 : vector<8x8192xi1> to vector<8x8192xi32>
    %convert_element_type3A_21 = arith.sitofp %convert_element_type3A_20 : vector<8x8192xi32> to vector<8x8192xf32>
    %mul3A = arith.mulf %reshape3A, %convert_element_type3A_21 : vector<8x8192xf32>
    %reduce_sum3A = arith.constant dense<0.000000e+00> : vector<8xf32>
    %reduce_sum3A_22 = vector.multi_reduction <add>, %mul3A, %reduce_sum3A [1] : vector<8x8192xf32> to vector<8xf32>
    %broadcast_in_dim3A = vector.shape_cast %reduce_sum3A_22 : vector<8xf32> to vector<8x1xf32>
    %mul3A_23 = arith.mulf %reshape3A_12, %convert_element_type3A_21 : vector<8x8192xf32>
    %reduce_sum3A_24 = arith.constant dense<0.000000e+00> : vector<8xf32>
    %reduce_sum3A_25 = vector.multi_reduction <add>, %mul3A_23, %reduce_sum3A_24 [1] : vector<8x8192xf32> to vector<8xf32>
    %broadcast_in_dim3A_26 = vector.shape_cast %reduce_sum3A_25 : vector<8xf32> to vector<8x1xf32>
    %mul3A_27 = arith.mulf %reshape3A_17, %convert_element_type3A_21 : vector<8x8192xf32>
    %reduce_sum3A_28 = arith.constant dense<0.000000e+00> : vector<8xf32>
    %reduce_sum3A_29 = vector.multi_reduction <add>, %mul3A_27, %reduce_sum3A_28 [1] : vector<8x8192xf32> to vector<8xf32>
    %broadcast_in_dim3A_30 = vector.shape_cast %reduce_sum3A_29 : vector<8xf32> to vector<8x1xf32>
    %transpose3A = tpu.transpose %get3A_3, [1, 0] : vector<8x1xi32> -> vector<1x8xi32>
    %swap3A = arith.index_cast %arg0 : i32 to index
    %swap3A_31 = arith.constant 0 : index
    %swap3A_32 = vector.load %arg4[%swap3A, %swap3A_31] : memref<512x8xi32, #tpu.memory_space<vmem>>, vector<1x8xi32>
    tpu.vector_store %arg4[%swap3A, %swap3A_31], %transpose3A {strides = array<i32>} : memref<512x8xi32, #tpu.memory_space<vmem>>, vector<1x8xi32>,
    %transpose3A_33 = tpu.transpose %broadcast_in_dim3A, [1, 0] : vector<8x1xf32> -> vector<1x8xf32>
    %swap3A_34 = arith.index_cast %arg0 : i32 to index
    %swap3A_35 = arith.constant 0 : index
    %swap3A_36 = vector.load %arg5[%swap3A_34, %swap3A_35] : memref<512x8xf32, #tpu.memory_space<vmem>>, vector<1x8xf32>
    tpu.vector_store %arg5[%swap3A_34, %swap3A_35], %transpose3A_33 {strides = array<i32>} : memref<512x8xf32, #tpu.memory_space<vmem>>, vector<1x8xf32>,
    %transpose3A_37 = tpu.transpose %broadcast_in_dim3A_26, [1, 0] : vector<8x1xf32> -> vector<1x8xf32>
    %swap3A_38 = arith.index_cast %arg0 : i32 to index
    %swap3A_39 = arith.constant 0 : index
    %swap3A_40 = vector.load %arg6[%swap3A_38, %swap3A_39] : memref<512x8xf32, #tpu.memory_space<vmem>>, vector<1x8xf32>
    tpu.vector_store %arg6[%swap3A_38, %swap3A_39], %transpose3A_37 {strides = array<i32>} : memref<512x8xf32, #tpu.memory_space<vmem>>, vector<1x8xf32>,
    %transpose3A_41 = tpu.transpose %broadcast_in_dim3A_30, [1, 0] : vector<8x1xf32> -> vector<1x8xf32>
    %swap3A_42 = arith.index_cast %arg0 : i32 to index
    %swap3A_43 = arith.constant 0 : index
    %swap3A_44 = vector.load %arg7[%swap3A_42, %swap3A_43] : memref<512x8xf32, #tpu.memory_space<vmem>>, vector<1x8xf32>
    tpu.vector_store %arg7[%swap3A_42, %swap3A_43], %transpose3A_41 {strides = array<i32>} : memref<512x8xf32, #tpu.memory_space<vmem>>, vector<1x8xf32>,
    %sub3A = vector.broadcast %broadcast_in_dim3A : vector<8x1xf32> to vector<8x8192xf32>
    %sub3A_45 = arith.subf %reshape3A, %sub3A : vector<8x8192xf32>
    %sub3A_46 = vector.broadcast %broadcast_in_dim3A_26 : vector<8x1xf32> to vector<8x8192xf32>
    %sub3A_47 = arith.subf %reshape3A_12, %sub3A_46 : vector<8x8192xf32>
    %sub3A_48 = vector.broadcast %broadcast_in_dim3A_30 : vector<8x1xf32> to vector<8x8192xf32>
    %sub3A_49 = arith.subf %reshape3A_17, %sub3A_48 : vector<8x8192xf32>
    %mul3A_50 = arith.mulf %sub3A_45, %sub3A_45 : vector<8x8192xf32>
    %mul3A_51 = arith.mulf %sub3A_47, %sub3A_47 : vector<8x8192xf32>
    %add3A = arith.addf %mul3A_50, %mul3A_51 : vector<8x8192xf32>
    %mul3A_52 = arith.mulf %sub3A_49, %sub3A_49 : vector<8x8192xf32>
    %add3A_53 = arith.addf %add3A, %mul3A_52 : vector<8x8192xf32>
    %get3A_54 = arith.constant 0 : index
    %get3A_55 = arith.constant 0 : index
    %get3A_56 = vector.load %arg8[%get3A_54, %get3A_55] : memref<8x8192xf32, #tpu.memory_space<vmem>>, vector<8x8192xf32>
    %min3A = arith.minimumf %get3A_56, %add3A_53 : vector<8x8192xf32>
    %swap3A_57 = arith.constant 0 : index
    %swap3A_58 = arith.constant 0 : index
    %swap3A_59 = vector.load %arg8[%swap3A_57, %swap3A_58] : memref<8x8192xf32, #tpu.memory_space<vmem>>, vector<8x8192xf32>
    tpu.vector_store %arg8[%swap3A_57, %swap3A_58], %min3A {strides = array<i32>} : memref<8x8192xf32, #tpu.memory_space<vmem>>, vector<8x8192xf32>,
    %reduce_max3A = arith.constant dense<0xFF800000> : vector<8xf32>
    %reduce_max3A_60 = vector.multi_reduction <maximumf>, %min3A, %reduce_max3A [1] : vector<8x8192xf32> to vector<8xf32>
    %broadcast_in_dim3A_61 = vector.shape_cast %reduce_max3A_60 : vector<8xf32> to vector<8x1xf32>
    %eq3A_62 = vector.broadcast %broadcast_in_dim3A_61 : vector<8x1xf32> to vector<8x8192xf32>
    %eq3A_63 = arith.cmpf oeq, %min3A, %eq3A_62 : vector<8x8192xf32>
    %jit3A = arith.constant 8192 : i32
    %broadcast_in_dim3A_64 = vector.broadcast %jit3A : i32 to vector<8x8192xi32>
    %select_n3A = arith.select %eq3A_63, %iota3A, %broadcast_in_dim3A_64 : vector<8x8192xi1>, vector<8x8192xi32>
    %reduce_min3A = arith.constant dense<2147483647> : vector<8xi32>
    %reduce_min3A_65 = vector.multi_reduction <minsi>, %select_n3A, %reduce_min3A [1] : vector<8x8192xi32> to vector<8xi32>
    %broadcast_in_dim3A_66 = vector.shape_cast %reduce_min3A_65 : vector<8xi32> to vector<8x1xi32>
    %swap3A_67 = arith.constant 0 : index
    %swap3A_68 = arith.constant 0 : index
    %swap3A_69 = vector.load %arg9[%swap3A_67, %swap3A_68] : memref<8x1xi32, #tpu.memory_space<vmem>>, vector<8x1xi32>
    tpu.vector_store %arg9[%swap3A_67, %swap3A_68], %broadcast_in_dim3A_66 {strides = array<i32>} : memref<8x1xi32, #tpu.memory_space<vmem>>, vector<8x1xi32>,
    return
  }
  func.func @transform_0(%arg0: i32) -> (i32, i32, i32) {
    %c0_i32 = arith.constant 0 : i32
    %c0_i32_0 = arith.constant 0 : i32
    %c0_i32_1 = arith.constant 0 : i32
    %c0_i32_2 = arith.constant 0 : i32
    return %c0_i32, %c0_i32_0, %c0_i32_1 : i32, i32, i32
  }
  func.func @transform_1(%arg0: i32) -> (i32, i32, i32) {
    %c0_i32 = arith.constant 0 : i32
    %c0_i32_0 = arith.constant 0 : i32
    %c0_i32_1 = arith.constant 0 : i32
    %c0_i32_2 = arith.constant 0 : i32
    return %c0_i32, %c0_i32_0, %c0_i32_1 : i32, i32, i32
  }
  func.func @transform_2(%arg0: i32) -> (i32, i32, i32) {
    %c0_i32 = arith.constant 0 : i32
    %c0_i32_0 = arith.constant 0 : i32
    %c0_i32_1 = arith.constant 0 : i32
    %c0_i32_2 = arith.constant 0 : i32
    return %c0_i32, %c0_i32_0, %c0_i32_1 : i32, i32, i32
  }
  func.func @transform_3(%arg0: i32) -> (i32, i32) {
    %c0_i32 = arith.constant 0 : i32
    %c0_i32_0 = arith.constant 0 : i32
    %c0_i32_1 = arith.constant 0 : i32
    return %c0_i32, %c0_i32_0 : i32, i32
  }
  func.func @transform_4(%arg0: i32) -> (i32, i32) {
    %c0_i32 = arith.constant 0 : i32
    %c0_i32_0 = arith.constant 0 : i32
    %c0_i32_1 = arith.constant 0 : i32
    return %c0_i32, %c0_i32_0 : i32, i32
  }
  func.func @transform_5(%arg0: i32) -> (i32, i32) {
    %c0_i32 = arith.constant 0 : i32
    %c0_i32_0 = arith.constant 0 : i32
    %c0_i32_1 = arith.constant 0 : i32
    return %c0_i32, %c0_i32_0 : i32, i32
  }
  func.func @transform_6(%arg0: i32) -> (i32, i32) {
    %c0_i32 = arith.constant 0 : i32
    %c0_i32_0 = arith.constant 0 : i32
    %c0_i32_1 = arith.constant 0 : i32
    return %c0_i32, %c0_i32_0 : i32, i32
  }
}

module attributes {stable_mosaic.version = 14 : i64} {
  func.func @_ball_body(%arg0: i32, %arg1: i32, %arg2: memref<1x3x8192xf32, #tpu.memory_space<vmem>>, %arg3: memref<1x128x3xf32, #tpu.memory_space<vmem>>, %arg4: memref<1x128x32xi32, #tpu.memory_space<vmem>>) attributes {dimension_semantics = [#tpu.dimension_semantics<arbitrary>, #tpu.dimension_semantics<arbitrary>], iteration_bounds = array<i64: 8, 4>, scalar_prefetch = 0 : i64, scratch_operands = 0 : i64, tpu.core_type = #tpu.core_type<tc>, window_params = [{transform_indices = @transform_0, window_bounds = array<i64: 1, 3, 8192>}, {transform_indices = @transform_1, window_bounds = array<i64: 1, 128, 3>}, {transform_indices = @transform_2, window_bounds = array<i64: 1, 128, 32>}]} {
    %get3A = arith.constant 0 : index
    %get3A_0 = arith.constant 0 : index
    %get3A_1 = arith.constant 0 : index
    %get3A_2 = vector.load %arg2[%get3A, %get3A_0, %get3A_1] : memref<1x3x8192xf32, #tpu.memory_space<vmem>>, vector<1x3x8192xf32>
    %get3A_3 = vector.shape_cast %get3A_2 : vector<1x3x8192xf32> to vector<3x8192xf32>
    %get3A_4 = arith.constant 0 : index
    %get3A_5 = arith.constant 0 : index
    %get3A_6 = arith.constant 0 : index
    %get3A_7 = vector.load %arg3[%get3A_4, %get3A_5, %get3A_6] : memref<1x128x3xf32, #tpu.memory_space<vmem>>, vector<1x128x3xf32>
    %get3A_8 = vector.shape_cast %get3A_7 : vector<1x128x3xf32> to vector<128x3xf32>
    %dot_general3A = arith.constant dense<0.000000e+00> : vector<128x8192xf32>
    %dot_general3A_9 = tpu.matmul %get3A_8, %get3A_3, %dot_general3A {dimension_numbers = #tpu.dot_dimension_numbers<[1], [0], [0], [1], [0, 0, 1, 1], [], []>, transpose_lhs_hint = false} : vector<128x3xf32>, vector<3x8192xf32>, vector<128x8192xf32> -> vector<128x8192xf32>
    %slice3A = vector.extract_strided_slice %get3A_8 {offsets = [0, 0], sizes = [128, 1], strides = [1, 1]} : vector<128x3xf32> to vector<128x1xf32>
    %slice3A_10 = vector.extract_strided_slice %get3A_8 {offsets = [0, 1], sizes = [128, 1], strides = [1, 1]} : vector<128x3xf32> to vector<128x1xf32>
    %slice3A_11 = vector.extract_strided_slice %get3A_8 {offsets = [0, 2], sizes = [128, 1], strides = [1, 1]} : vector<128x3xf32> to vector<128x1xf32>
    %slice3A_12 = vector.extract_strided_slice %get3A_3 {offsets = [0, 0], sizes = [1, 8192], strides = [1, 1]} : vector<3x8192xf32> to vector<1x8192xf32>
    %slice3A_13 = vector.extract_strided_slice %get3A_3 {offsets = [1, 0], sizes = [1, 8192], strides = [1, 1]} : vector<3x8192xf32> to vector<1x8192xf32>
    %slice3A_14 = vector.extract_strided_slice %get3A_3 {offsets = [2, 0], sizes = [1, 8192], strides = [1, 1]} : vector<3x8192xf32> to vector<1x8192xf32>
    %mul3A = arith.mulf %slice3A, %slice3A : vector<128x1xf32>
    %mul3A_15 = arith.mulf %slice3A_10, %slice3A_10 : vector<128x1xf32>
    %add3A = arith.addf %mul3A, %mul3A_15 : vector<128x1xf32>
    %mul3A_16 = arith.mulf %slice3A_11, %slice3A_11 : vector<128x1xf32>
    %add3A_17 = arith.addf %add3A, %mul3A_16 : vector<128x1xf32>
    %mul3A_18 = arith.mulf %slice3A_12, %slice3A_12 : vector<1x8192xf32>
    %mul3A_19 = arith.mulf %slice3A_13, %slice3A_13 : vector<1x8192xf32>
    %add3A_20 = arith.addf %mul3A_18, %mul3A_19 : vector<1x8192xf32>
    %mul3A_21 = arith.mulf %slice3A_14, %slice3A_14 : vector<1x8192xf32>
    %add3A_22 = arith.addf %add3A_20, %mul3A_21 : vector<1x8192xf32>
    %mul3A_23 = arith.constant -2.000000e+00 : f32
    %mul3A_24 = vector.broadcast %mul3A_23 : f32 to vector<128x8192xf32>
    %mul3A_25 = arith.mulf %mul3A_24, %dot_general3A_9 : vector<128x8192xf32>
    %add3A_26 = vector.broadcast %add3A_17 : vector<128x1xf32> to vector<128x8192xf32>
    %add3A_27 = arith.addf %mul3A_25, %add3A_26 : vector<128x8192xf32>
    %add3A_28 = vector.broadcast %add3A_22 : vector<1x8192xf32> to vector<128x8192xf32>
    %add3A_29 = arith.addf %add3A_27, %add3A_28 : vector<128x8192xf32>
    %iota3A = tpu.iota {dimensions = array<i32: 1>} : vector<128x8192xi32>
    %le3A = arith.constant 4.000000e-02 : f32
    %le3A_30 = vector.broadcast %le3A : f32 to vector<128x8192xf32>
    %le3A_31 = arith.cmpf ole, %add3A_29, %le3A_30 : vector<128x8192xf32>
    %jit3A = arith.constant 8192 : i32
    %broadcast_in_dim3A = vector.broadcast %jit3A : i32 to vector<128x8192xi32>
    %select_n3A = arith.select %le3A_31, %iota3A, %broadcast_in_dim3A : vector<128x8192xi1>, vector<128x8192xi32>
    %iota3A_32 = tpu.iota {dimensions = array<i32: 1>} : vector<128x32xi32>
    %broadcast_in_dim3A_33 = arith.constant -1 : i32
    %broadcast_in_dim3A_34 = vector.broadcast %broadcast_in_dim3A_33 : i32 to vector<128x1xi32>
    %broadcast_in_dim3A_35 = arith.constant 8192 : i32
    %broadcast_in_dim3A_36 = vector.broadcast %broadcast_in_dim3A_35 : i32 to vector<128x32xi32>
    %scan3A = arith.constant 0 : i32
    %scan3A_37 = arith.constant 32 : i32
    %scan3A_38 = arith.addi %scan3A, %scan3A_37 : i32
    %scan3A_39 = arith.constant 1 : i32
    %scan3A_40:2 = scf.for %scan3A_52 = %scan3A to %scan3A_38 step %scan3A_39 iter_args(%scan3A_53 = %broadcast_in_dim3A_34, %scan3A_54 = %broadcast_in_dim3A_36) -> (vector<128x1xi32>, vector<128x32xi32>)  : i32 {
      %gt3A = vector.broadcast %scan3A_53 : vector<128x1xi32> to vector<128x8192xi32>
      %gt3A_55 = arith.cmpi sgt, %select_n3A, %gt3A : vector<128x8192xi32>
      %jit3A_56 = arith.constant 8192 : i32
      %broadcast_in_dim3A_57 = vector.broadcast %jit3A_56 : i32 to vector<128x8192xi32>
      %select_n3A_58 = arith.select %gt3A_55, %select_n3A, %broadcast_in_dim3A_57 : vector<128x8192xi1>, vector<128x8192xi32>
      %reduce_min3A = arith.constant dense<2147483647> : vector<128xi32>
      %reduce_min3A_59 = vector.multi_reduction <minsi>, %select_n3A_58, %reduce_min3A [1] : vector<128x8192xi32> to vector<128xi32>
      %broadcast_in_dim3A_60 = vector.shape_cast %reduce_min3A_59 : vector<128xi32> to vector<128x1xi32>
      %eq3A_61 = vector.broadcast %scan3A_52 : i32 to vector<128x32xi32>
      %eq3A_62 = arith.cmpi eq, %iota3A_32, %eq3A_61 : vector<128x32xi32>
      %broadcast_in_dim3A_63 = vector.shape_cast %broadcast_in_dim3A_60 : vector<128x1xi32> to vector<128x1xi32>
      %broadcast_in_dim3A_64 = vector.broadcast %broadcast_in_dim3A_63 : vector<128x1xi32> to vector<128x32xi32>
      %select_n3A_65 = arith.select %eq3A_62, %broadcast_in_dim3A_64, %scan3A_54 : vector<128x32xi1>, vector<128x32xi32>
      scf.yield %broadcast_in_dim3A_60, %select_n3A_65 : vector<128x1xi32>, vector<128x32xi32>
    }
    %scan3A_41 = arith.constant 32 : i32
    %slice3A_42 = vector.extract_strided_slice %scan3A_40#1 {offsets = [0, 0], sizes = [128, 1], strides = [1, 1]} : vector<128x32xi32> to vector<128x1xi32>
    %eq3A = arith.constant 8192 : i32
    %eq3A_43 = vector.broadcast %eq3A : i32 to vector<128x32xi32>
    %eq3A_44 = arith.cmpi eq, %scan3A_40#1, %eq3A_43 : vector<128x32xi32>
    %broadcast_in_dim3A_45 = vector.shape_cast %slice3A_42 : vector<128x1xi32> to vector<128x1xi32>
    %broadcast_in_dim3A_46 = vector.broadcast %broadcast_in_dim3A_45 : vector<128x1xi32> to vector<128x32xi32>
    %select_n3A_47 = arith.select %eq3A_44, %broadcast_in_dim3A_46, %scan3A_40#1 : vector<128x32xi1>, vector<128x32xi32>
    %broadcast_in_dim3A_48 = vector.shape_cast %select_n3A_47 : vector<128x32xi32> to vector<1x128x32xi32>
    %swap3A = arith.constant 0 : index
    %swap3A_49 = arith.constant 0 : index
    %swap3A_50 = arith.constant 0 : index
    %swap3A_51 = vector.load %arg4[%swap3A, %swap3A_49, %swap3A_50] : memref<1x128x32xi32, #tpu.memory_space<vmem>>, vector<1x128x32xi32>
    tpu.vector_store %arg4[%swap3A, %swap3A_49, %swap3A_50], %broadcast_in_dim3A_48 {strides = array<i32>} : memref<1x128x32xi32, #tpu.memory_space<vmem>>, vector<1x128x32xi32>,
    return
  }
  func.func @transform_0(%arg0: i32, %arg1: i32) -> (i32, i32, i32) {
    %c0_i32 = arith.constant 0 : i32
    %c0_i32_0 = arith.constant 0 : i32
    %c0_i32_1 = arith.constant 0 : i32
    return %arg0, %c0_i32, %c0_i32_0 : i32, i32, i32
  }
  func.func @transform_1(%arg0: i32, %arg1: i32) -> (i32, i32, i32) {
    %c0_i32 = arith.constant 0 : i32
    %c0_i32_0 = arith.constant 0 : i32
    return %arg0, %arg1, %c0_i32 : i32, i32, i32
  }
  func.func @transform_2(%arg0: i32, %arg1: i32) -> (i32, i32, i32) {
    %c0_i32 = arith.constant 0 : i32
    %c0_i32_0 = arith.constant 0 : i32
    return %arg0, %arg1, %c0_i32 : i32, i32, i32
  }
}

</mosaic_0001>

<sc_bundles>
// kernel: kernel.5.cloned.1.call-start
scs
__scs_entry_jumppad:
0x0: {  	(pc) =	sbr.rel $0x88, $3  }
0x1: {  	(tag) =	ssettag $0x0;
	lr =	simm.s32 $0x1  }
0x2: {  	[smem:$0x3F9F] =	sst lr;
	_ =	strace $0xD0000000  }
0x3: {  	_ = 	snop  }
0x4: {  	_ = 	snop  }
0x5: {  	_ = 	snop  }
0x6: {  	_ = 	snop  }
0x7: {  	_ = 	snop  }
__scs_overlays_trampoline_lowered:
0x8: {  	[smem:$0x3FAE] =	sst s0  }
0x9: {  	[smem:$0x3FAF] =	sst s1  }
0xa: {  	[smem:$0x3FB0] =	sst s2  }
0xb: {  	[smem:$0x3FB1] =	sst s3  }
0xc: {  	[smem:$0x3FB2] =	sst s4  }
0xd: {  	[smem:$0x3FB3] =	sst s5  }
0xe: {  	[smem:$0x3FB4] =	sst s6  }
0xf: {  	[smem:$0x3FB5] =	sst s7  }
0x10: {  	[smem:$0x3FB6] =	sst s8  }
0x11: {  	[smem:$0x3FB7] =	sst s9;
	s0 =	simm.s32 @!p0 $0x0  }
0x12: {  	s1 =	sld [smem:$0x3F9D];
	s0 =	simm.s32 @p0 $0x1  }
0x13: {  	[smem:$0x3FB8] =	sst s0;
	s0 =	simm.s32 @!p1 $0x0  }
0x14: {  	s2 =	sld [smem:$0x3F9C];
	s0 =	simm.s32 @p1 $0x1  }
0x15: {  	[smem:$0x3FB9] =	sst s0;
	s0 =	simm.s32 @!p2 $0x0  }
0x16: {  	s3 =	sld [smem:$0x3FDB];
	s0 =	simm.s32 @p2 $0x1  }
0x17: {  	s4 =	simm.s32 $0x1BF5;
	[smem:$0x3FBB] =	sst s0  }
0x18: {  	s0 =	sld [smem:$0x3F9E];
	_ =	swait.ge [sflag:s4], $0x0  }
0x19: {  	s7 =	sld [smem:$0x3F9F]  }
0x1a: {  	s8 =	sadd.s32 $0xFFFFE003, lr  }
0x1b: {  	s9 =	sadd.s32 $0xFFFFFEF7, lr;
	s5 =	simm.s32 $0xFFFFFFFF;
	p2 =	slt.u32 s8, $0xFFFFF086  }
0x1c: {  	p1 =	slt.u32 s9, $0xF7A;
	s5 =	simm.s32 @!p2 $0x0  }
0x1d: {  	s5 =	simm.s32 @p1 $0x1;
	p0 =	seq.s32 s7, s2  }
0x1e: {  	s7 =	smul.u32 @!p0 $0xF7A, s2;
	p2 =	seq.s32 @!p0 s5, $0x0  }
0x1f: {  	s9 =	smul.u32 $0xF7A, s1;
	s8 =	simm.s32 @!p0 $0x1BF5;
	p2 =	por !p2, p0  }
0x20: {  	[sflag:s8] =	ssyncset.s32 @!p0 $0xFFFFF086;
	s6 =	sadd.s32 @!p0 s3, s7;
	s7 =	simm.s32 @!p0 $0x108  }
0x21: {  	s3 =	sadd.s32 s3, s9;
	s6 =	sadd.s32 @!p0 $0x88, s6;
	s7 =	simm.s32 @p2 $0x1082  }
0x22: {  	[simem:s7], [sflag:s8] =	dma.local @!p0 [hbm:s6], $0xF7A  }
0x23: {  	s9 =	sor.u32 $0xD0000000, s2;
	s6 =	simm.s32 $0x108;
	_ =	swait.ge @!p0 [sflag:s8], $0x0  }
0x24: {  	s3 =	sadd.s32 $0x88, s3;
	s6 =	simm.s32 @!p1 $0x1082;
	[sflag:s4] =	ssyncset.s32 $0xFFFFF086  }
0x25: {  	[simem:s6], [sflag:s4] =	dma.local [hbm:s3], $0xF7A  }
0x26: {  	[smem:$0x3F9F] =	sst s1;
	(tag) =	ssettag s2;
	_ =	strace s9  }
0x27: {  	s1 =	sld [smem:$0x3FAF]  }
0x28: {  	s2 =	sld [smem:$0x3FB0]  }
0x29: {  	s4 =	sld [smem:$0x3FB2]  }
0x2a: {  	p0 =	seq.s32 s5, $0x0;
	s5 =	sld [smem:$0x3FB3]  }
0x2b: {  	s6 =	sld [smem:$0x3FB4]  }
0x2c: {  	s7 =	sld [smem:$0x3FB5]  }
0x2d: {  	s3 =	simm.s32 $0x108;
	s8 =	sld [smem:$0x3FB6]  }
0x2e: {  	s3 =	simm.s32 @!p0 $0x1082;
	s9 =	sld [smem:$0x3FB7]  }
0x2f: {  	lr =	sadd.s32 s0, s3;
	s0 =	sld [smem:$0x3FAE]  }
0x30: {  	s3 =	sld [smem:$0x3FB1]  }
0x31: {  	[smem:$0x3FBA] =	sst s10  }
0x32: {  	s10 =	sld [smem:$0x3FB8];
	_ =	sdelay $0x3  }
0x33: {  	p0 =	seq.s32 s10, $0x1;
	s10 =	sld [smem:$0x3FBA];
	_ =	sdelay $0x3  }
0x34: {  	[smem:$0x3FBA] =	sst s10  }
0x35: {  	s10 =	sld [smem:$0x3FB9];
	_ =	sdelay $0x3  }
0x36: {  	p1 =	seq.s32 s10, $0x1;
	s10 =	sld [smem:$0x3FBA];
	_ =	sdelay $0x3  }
0x37: {  	[smem:$0x3FBA] =	sst s10  }
0x38: {  	s10 =	sld [smem:$0x3FBB]  }
0x39: {  	_ = 	snop;
	(pc) =	sbr.ind lr, $3  }
0x3a: {  	_ = 	snop  }
0x3b: {  	_ = 	snop  }
0x3c: {  	p2 =	seq.s32 s10, $0x1;
	s10 =	sld [smem:$0x3FBA]  }
0x3d: {  	_ =	shalt  }
0x3e: {  	_ =	shalt  }
0x3f: {  	_ =	shalt  }
0x40: {  	_ =	shalt  }
0x41: {  	_ =	shalt  }
0x42: {  	_ =	shalt  }
0x43: {  	_ =	shalt  }
0x44: {  	_ =	shalt  }
0x45: {  	_ =	shalt  }
0x46: {  	_ =	shalt  }
0x47: {  	_ =	shalt  }
0x48: {  	_ =	shalt  }
0x49: {  	_ =	shalt  }
0x4a: {  	_ =	shalt  }
0x4b: {  	_ =	shalt  }
0x4c: {  	_ =	shalt  }
0x4d: {  	_ =	shalt  }
0x4e: {  	_ =	shalt  }
0x4f: {  	_ =	shalt  }
0x50: {  	_ =	shalt  }
0x51: {  	_ =	shalt  }
0x52: {  	_ =	shalt  }
0x53: {  	_ =	shalt  }
0x54: {  	_ =	shalt  }
0x55: {  	_ =	shalt  }
0x56: {  	_ =	shalt  }
0x57: {  	_ =	shalt  }
0x58: {  	_ =	shalt  }
0x59: {  	_ =	shalt  }
0x5a: {  	_ =	shalt  }
0x5b: {  	_ =	shalt  }
0x5c: {  	_ =	shalt  }
0x5d: {  	_ =	shalt  }
0x5e: {  	_ =	shalt  }
0x5f: {  	_ =	shalt  }
0x60: {  	_ =	shalt  }
0x61: {  	_ =	shalt  }
0x62: {  	_ =	shalt  }
0x63: {  	_ =	shalt  }
0x64: {  	_ =	shalt  }
0x65: {  	_ =	shalt  }
0x66: {  	_ =	shalt  }
0x67: {  	_ =	shalt  }
0x68: {  	_ =	shalt  }
0x69: {  	_ =	shalt  }
0x6a: {  	_ =	shalt  }
0x6b: {  	_ =	shalt  }
0x6c: {  	_ =	shalt  }
0x6d: {  	_ =	shalt  }
0x6e: {  	_ =	shalt  }
0x6f: {  	_ =	shalt  }
0x70: {  	_ =	shalt  }
0x71: {  	_ =	shalt  }
0x72: {  	_ =	shalt  }
0x73: {  	_ =	shalt  }
0x74: {  	_ =	shalt  }
0x75: {  	_ =	shalt  }
0x76: {  	_ =	shalt  }
0x77: {  	_ =	shalt  }
0x78: {  	_ =	shalt  }
0x79: {  	_ =	shalt  }
0x7a: {  	_ =	shalt  }
0x7b: {  	_ =	shalt  }
0x7c: {  	_ =	shalt  }
0x7d: {  	_ =	shalt  }
0x7e: {  	_ =	shalt  }
0x7f: {  	_ =	shalt  }
0x80: {  	_ =	shalt  }
0x81: {  	_ =	shalt  }
0x82: {  	_ =	shalt  }
0x83: {  	_ =	shalt  }
0x84: {  	_ =	shalt  }
0x85: {  	_ =	shalt  }
0x86: {  	_ =	shalt  }
0x87: {  	_ =	shalt  }
.Lfunc_end0:
.L_simem_size_0:
called_computation.1_lowered:
.L_overlay_start_0:
0x88: {  	s2 =	sld [smem:$0x3FD9]  }
0x89: {  	s3 =	sld [smem:$0x3FFE];
	_ =	sdelay $0x1  }
0x8a: {  	s1 =	srdreg.scid  }
0x8b: {  	s0 =	sand.u32 $0x1, s1  }
0x8c: {  	s14 =	sshll.u32 s0, $0xA;
	s2 =	sadd.s32 s3, s2  }
0x8d: {  	s2 =	sadd.s32 s2, s14  }
0x8e: {  	[smem:$0x3FC6] =	sst s2  }
0x8f: {  	_ = 	snop  }
0x90: {  	s2 =	sld [smem:$0x3FD0];
	_ =	sdelay $0x2  }
0x91: {  	s15 =	simm.s32 $0xA;
	s4 =	simm.s32 $0x10  }
0x92: {  	[smem:s4], [sflag:s15] =	dma.local [hbm:s2], $0x1  }
0x93: {  	_ =	swait.eq [sflag:s15], $0x1  }
0x94: {  	[sflag:s15] =	ssyncset.done $0x0  }
0x95: {  	[sflag:s15] =	ssyncadd.s32 $0xFFFFFFFF  }
0x96: {  	s16 =	sld [smem:$0x11];
	(tm) =	ssettm $0x1  }
0x97: {  	s17 =	sld [smem:$0x3FFB];
	_ =	sdelay $0x3  }
0x98: {  	_ =	strace s17  }
0x99: {  	s3 =	sld [smem:$0x3FFC];
	_ =	sdelay $0x3  }
0x9a: {  	_ =	strace s3  }
0x9b: {  	s3 =	sld [smem:$0x3FFD];
	_ =	sdelay $0x3  }
0x9c: {  	_ =	strace s3  }
0x9d: {  	_ =	strace $0x8FFFFFFF  }
0x9e: {  	s18 =	sld [smem:$0x3FDB];
	_ =	sdelay $0x1  }
0x9f: {  	s19 =	simm.s32 $_scs_section_size  }
0xa0: {  	s5 =	simm.s32 $_size__tile_overlayer_lowered;
	s6 =	simm.s32 $_tile_overlayer_lowered  }
0xa1: {  	s22 =	simm.s32 $0x1BFF;
	s21 =	sshll.u32 s6, $0x1;
	s3 =	sadd.s32 s19, s18  }
0xa2: {  	s7 =	simm.s32 $0x0;
	s20 =	sshll.u32 s5, $0x1;
	s5 =	sadd.s32 s21, s3  }
0xa3: {  	[timem:s7], [sflag:s22] =	dma.local [hbm:s5], s20  }
0xa4: {  	_ =	swait.ge [sflag:s22], s20  }
0xa5: {  	s4 =	ssub.s32 $0x0, s20;
	[sflag:s22] =	ssyncset.done $0x0  }
0xa6: {  	[sflag:s22] =	ssyncadd.s32 s4;
	_ =	sdelay $0x1  }
0xa7: {  	s23 =	simm.s32 $0x1B8B  }
0xa8: {  	_ =	swait.ge [sflag:s23], $0x1  }
0xa9: {  	[sflag:s23] =	ssyncset.done $0x0  }
0xaa: {  	s25 =	simm.s32 $0x1B8E;
	s24 =	sld [smem:$0x3FFE];
	[sflag:s23] =	ssyncadd.s32 $0xFFFFFFFF  }
0xab: {  	s26 =	simm.s32 $execute0_lowered;
	[smem:$0x3FD2] =	sst s25  }
0xac: {  	s5 =	sshll.u32 s26, $0x1;
	_ =	strace $0x80000046;
	[dreg:$0x1] =	wrdreg $0xFFFFFFFF  }
0xad: {  	s28 =	simm.s32 $_size_execute0_lowered;
	s3 =	sadd.s32 s3, s5;
	[dreg:$0x0] =	wrdreg $0x0  }
0xae: {  	s5 =	sshll.u32 s28, $0x1;
	[dreg:$0x2] =	wrdreg s3  }
0xaf: {  	[dreg:$0x3] =	wrdreg s5  }
0xb0: {  	[dreg:$0x4] =	wrdreg $0xC0  }
0xb1: {  	_ =	task [dreg:s7], $0x5FFFF  }
0xb2: {  	[dreg:$0x1] =	wrdreg $0xFFFFFFFF  }
0xb3: {  	[dreg:$0x0] =	wrdreg $0x60  }
0xb4: {  	[dreg:$0x2] =	wrdreg s24  }
0xb5: {  	[dreg:$0x3] =	wrdreg s16  }
0xb6: {  	[dreg:$0x4] =	wrdreg $0x9  }
0xb7: {  	_ =	task.clear_ibuf [dreg:s7], $0x5FFFF;
	_ =	strace $0x90000046  }
0xb8: {  	s29 =	simm.s32 $0x9;
	_ =	strace $0x80000048  }
0xb9: {  	_ =	swait.ge [sflag:s29], $0x1  }
0xba: {  	[sflag:s29] =	ssyncadd.s32 $0xFFFFFFFF  }
0xbb: {  	_ =	strace $0x90000048  }
0xbc: {  	_ =	sfence  }
0xbd: {  	s30 =	sld [smem:$0x0];
	_ =	sdelay $0x2  }
0xbe: {  	s31 =	sshll.u32 s1, $0xD;
	s1 =	sshrl.u32 s1, $0x2  }
0xbf: {  	s3 =	sand.u32 $0x4000, s31;
	s1 =	sadd.s32 s1, s30  }
0xc0: {  	s0 =	sor.u32 s3, s0;
	s1 =	sshll.u32 s1, $0x11  }
0xc1: {  	s0 =	sor.u32 s1, s0  }
0xc2: {  	s0 =	sadd.s32 $0x8F2B, s0  }
0xc3: {  	[sflag:s0] =	ssyncadd.remote.s32 $0x1  }
0xc4: {  	_ =	sfence.sel $0xFFFF  }
0xc5: {  	[dreg:$0x0] =	wrdreg $0xFFFFFFFF;
	(pc) =	sbr.abs _section_cstart, $3  }
0xc6: {  	[dreg:$0x1] =	wrdreg $0xFFFFFFFF  }
0xc7: {  	_ =	task.clear_ibuf [dreg:s7], $0x2FFFF;
	_ =	strace $0x9FFFFFFF  }
0xc8: {  	(tm) =	ssettm $0x7FFFFFFF  }
0xc9: {  	_ =	shalt  }
tec
execute0_lowered:
.L_overlay_start_1:
0x0: {  	(tag) =	ssettag $0x1  }
0x1: {  	s4 =	rddreg [dreg:$0x0]  }
0x2: {  	s5 =	rddreg [dreg:$0x1]  }
0x3: {  	s0 =	rddreg [dreg:$0x2];
	s1 =	stileid.u32  }
0x4: {  	s3 =	srdreg.scid;
	s2 =	simm.s32 $0x0;
	s7 =	smul.u32 $0x2100, s1  }
0x5: {  	s6 =	sand.u32 $0x1, s3;
	[smem:$0x7FF] =	sst s2;
	s10 =	smul.u32 $0x14A00, s1  }
0x6: {  	s3 =	sadd.s32 $0x1E00, s4;
	s8 =	smul.u32 $0x1080, s6;
	s9 =	ssub.s32 $0x2, s6  }
0x7: {  	_ =	strace $0x80000047;
	s6 =	smul.u32 $0xA500, s6;
	s31 =	sshrl.u32 s9, $0x1  }
0x8: {  	s5 =	sadd.s32 s10, s5;
	s10 =	simm.s32 $0x0;
	s7 =	sadd.s32 s8, s7  }
0x9: {  	s8 =	ssub.s32 s9, s31;
	s5 =	sadd.s32 s6, s5;
	s7 =	sshrl.u32 s7, $0x3  }
0xa: {  	s9 =	simm.s32 $0x1;
	s7 =	sadd.s32 s7, s4;
	s4 =	smax.u32 s8, $0x1  }
0xb: {  	s8 =	simm.s32 $0x80;
	s6 =	sadd.s32 $0xA1E00, s7;
	s7 =	simm.s32 $0x2  }
.LBB2_1:
0xc: {  	s11 =	sadd.s32 $0x0, s6  }
0xd: {  	[tilespmem:s2], [sflag:$0x2] =	stream.linear.gather [hbm4b:s11+s2], $0x80, $0x38;
	[tilespmem:$0x2880] =	vst v63  }
0xe: {  	_ =	swait.ge [sflag:s7], $0x80  }
0xf: {  	[sflag:s7] =	ssyncset.done $0x0  }
0x10: {  	[sflag:s7] =	ssyncadd.s32 $0xFFFFFF80  }
0x11: {  	[tilespmem:s8], [sflag:$0x1] =	stream.indirect.gather [hbm4b:s3+s8], $0x50, s2, s8, $0xb8;
	[tilespmem:$0x2880] =	vst v63  }
0x12: {  	_ =	swait.ge [sflag:s9], $0x2800  }
0x13: {  	[sflag:s9] =	ssyncset.done $0x0  }
0x14: {  	[sflag:s9] =	ssyncadd.s32 $0xFFFFD800  }
0x15: {  	[hbm4b:s5+s2] =	stream.linear.scatter [tilespmem:s8], [sflag:$0x2], $0x2800, $0x38;
	[tilespmem:$0x2880] =	vst v63  }
0x16: {  	s12 =	simm.s32 $0x10;
	_ =	swait.ge [sflag:s7], $0x2800  }
0x17: {  	s13 =	simm.s32 $0x20;
	s11 =	sadd.s32 $0x500, s5;
	[sflag:s7] =	ssyncset.done $0x0  }
.LBB2_2:
0x18: {  	s14 =	sadd.s32 s12, s6  }
0x19: {  	[sflag:s7] =	ssyncadd.s32 $0xFFFFD800;
	s12 =	smov.u32 s13;
	s15 =	sadd.s32 $0x10, s13  }
0x1a: {  	[tilespmem:s2], [sflag:$0x2] =	stream.linear.gather [hbm4b:s14+s2], $0x80, $0x38;
	[tilespmem:$0x2880] =	vst v63  }
0x1b: {  	p0 =	sne.s32 s13, $0x200;
	_ =	swait.ge [sflag:s7], $0x80  }
0x1c: {  	[sflag:s7] =	ssyncset.done $0x0  }
0x1d: {  	[sflag:s7] =	ssyncadd.s32 $0xFFFFFF80  }
0x1e: {  	[tilespmem:s8], [sflag:$0x1] =	stream.indirect.gather [hbm4b:s3+s8], $0x50, s2, s8, $0xb8;
	[tilespmem:$0x2880] =	vst v63  }
0x1f: {  	_ =	swait.ge [sflag:s9], $0x2800  }
.Ltmp0:
0x20: {  	[sflag:s9] =	ssyncset.done $0x0;
	(pc) =	sbr.rel @p0 .LBB2_2-.Ltmp0, $4  }
0x21: {  	[sflag:s9] =	ssyncadd.s32 $0xFFFFD800  }
0x22: {  	[hbm4b:s11+s2] =	stream.linear.scatter [tilespmem:s8], [sflag:$0x2], $0x2800, $0x38;
	[tilespmem:$0x2880] =	vst v63  }
0x23: {  	_ =	swait.ge [sflag:s7], $0x2800  }
0x24: {  	s13 =	smov.u32 s15;
	s11 =	sadd.s32 $0x500, s11;
	[sflag:s7] =	ssyncset.done $0x0  }
0x25: {  	s12 =	sadd.s32 s12, s6;
	[sflag:s7] =	ssyncadd.s32 $0xFFFFD800  }
0x26: {  	[tilespmem:s2], [sflag:$0x2] =	stream.linear.gather [hbm4b:s12+s2], $0x80, $0x38;
	[tilespmem:$0x2880] =	vst v63  }
0x27: {  	_ =	swait.ge [sflag:s7], $0x80  }
0x28: {  	[sflag:s7] =	ssyncset.done $0x0  }
0x29: {  	[sflag:s7] =	ssyncadd.s32 $0xFFFFFF80  }
0x2a: {  	[tilespmem:s8], [sflag:$0x1] =	stream.indirect.gather [hbm4b:s3+s8], $0x50, s2, s8, $0xb8;
	[tilespmem:$0x2880] =	vst v63  }
0x2b: {  	s10 =	sadd.s32 $0x1, s10;
	_ =	swait.ge [sflag:s9], $0x2800  }
0x2c: {  	p0 =	sne.s32 s10, s4;
	[sflag:s9] =	ssyncset.done $0x0  }
.Ltmp1:
0x2d: {  	[sflag:s9] =	ssyncadd.s32 $0xFFFFD800;
	(pc) =	sbr.rel @p0 .LBB2_1-.Ltmp1, $4  }
0x2e: {  	[hbm4b:s11+s2] =	stream.linear.scatter [tilespmem:s8], [sflag:$0x2], $0x2800, $0x38;
	[tilespmem:$0x2880] =	vst v63  }
0x2f: {  	_ =	swait.ge [sflag:s7], $0x2800  }
0x30: {  	[sflag:s7] =	ssyncset.done $0x0  }
0x31: {  	[sflag:s7] =	ssyncadd.s32 $0xFFFFD800  }
0x32: {  	_ =	sfence.sel $0x180000  }
0x33: {  	[bflag:$0x0] =	sbarrier.arrive $0xFFFF  }
0x34: {  	p0 =	sne.s32 s1, $0x0;
	_ =	strace $0x90000047  }
0x35: {  	s0 =	sadd.s32 @!p0 $0x100000, s0;
	[bflag:$0x2] =	sbarrier.arrive $0xFFFF  }
0x36: {  	[sflag:s0] =	ssyncadd.tile.s32 @!p0 $0x1;
	_ =	shalt  }
.Lfunc_end2:
_tile_overlayer_lowered:
.L_overlay_start_2:
0x37: {  	(tag) =	ssettag $0x2  }
0x38: {  	s0 =	rddreg [dreg:$0x0];
	s2 =	stileid.u32  }
0x39: {  	s1 =	rddreg [dreg:$0x1];
	p0 =	sne.s32 s2, $0x0  }
0x3a: {  	s3 =	rddreg [dreg:$0x2];
	[bflag:$0x3] =	sbarrier.arrive $0xFFFF;
	s2 =	simm.s32 @!p0 $0x1C02  }
0x3b: {  	[timem:s3], [sflag:s2] =	dma.local @!p0 [hbm:s0], s1  }
0x3c: {  	s0 =	simm.s32 @!p0 $0x2  }
0x3d: {  	_ =	swait.ge @!p0 [sflag:s0], s1  }
0x3e: {  	s1 =	ssub.s32 @!p0 $0x0, s1;
	[sflag:s0] =	ssyncset.done @!p0 $0x0  }
0x3f: {  	[sflag:s0] =	ssyncadd.s32 @!p0 s1  }
0x40: {  	[bflag:$0x3] =	sbarrier.arrive $0xFFFF  }
0x41: {  	_ =	shalt  }

// kernel: sparse-core-data-format-call.cloned.1.call-start
scs
called_computation_lowered:
.L_overlay_start_0:
0x0: {  	s2 =	sld [smem:$0x3FD9]  }
0x1: {  	s3 =	sld [smem:$0x3FFE];
	_ =	sdelay $0x1  }
0x2: {  	s1 =	srdreg.scid  }
0x3: {  	s0 =	sand.u32 $0x1, s1  }
0x4: {  	s15 =	sshll.u32 s0, $0xA;
	s2 =	sadd.s32 s3, s2  }
0x5: {  	s2 =	sadd.s32 s2, s15  }
0x6: {  	[smem:$0x3FC6] =	sst s2  }
0x7: {  	_ = 	snop  }
0x8: {  	s2 =	sld [smem:$0x3FD0];
	_ =	sdelay $0x2  }
0x9: {  	s16 =	simm.s32 $0xA;
	s4 =	simm.s32 $0x10  }
0xa: {  	[smem:s4], [sflag:s16] =	dma.local [hbm:s2], $0x1  }
0xb: {  	_ =	swait.eq [sflag:s16], $0x1  }
0xc: {  	[sflag:s16] =	ssyncset.done $0x0  }
0xd: {  	[sflag:s16] =	ssyncadd.s32 $0xFFFFFFFF  }
0xe: {  	s17 =	sld [smem:$0x11];
	(tm) =	ssettm $0x1  }
0xf: {  	s18 =	sld [smem:$0x3FFB];
	_ =	sdelay $0x3  }
0x10: {  	_ =	strace s18  }
0x11: {  	s3 =	sld [smem:$0x3FFC];
	_ =	sdelay $0x3  }
0x12: {  	_ =	strace s3  }
0x13: {  	s3 =	sld [smem:$0x3FFD];
	_ =	sdelay $0x3  }
0x14: {  	_ =	strace s3  }
0x15: {  	_ =	strace $0x8FFFFFFF  }
0x16: {  	s19 =	sld [smem:$0x3FDB];
	_ =	sdelay $0x1  }
0x17: {  	s20 =	simm.s32 $_scs_section_size  }
0x18: {  	s5 =	simm.s32 $_size__tile_overlayer_lowered;
	s6 =	simm.s32 $_tile_overlayer_lowered  }
0x19: {  	s23 =	simm.s32 $0x1BFF;
	s22 =	sshll.u32 s6, $0x1;
	s3 =	sadd.s32 s20, s19  }
0x1a: {  	s7 =	simm.s32 $0x0;
	s21 =	sshll.u32 s5, $0x1;
	s5 =	sadd.s32 s22, s3  }
0x1b: {  	[timem:s7], [sflag:s23] =	dma.local [hbm:s5], s21  }
0x1c: {  	_ =	swait.ge [sflag:s23], s21  }
0x1d: {  	s4 =	ssub.s32 $0x0, s21;
	[sflag:s23] =	ssyncset.done $0x0  }
0x1e: {  	[sflag:s23] =	ssyncadd.s32 s4;
	_ =	sdelay $0x1  }
0x1f: {  	s24 =	simm.s32 $0x1B8B  }
0x20: {  	_ =	swait.ge [sflag:s24], $0x1  }
0x21: {  	[sflag:s24] =	ssyncset.done $0x0  }
0x22: {  	s26 =	simm.s32 $0x1B8E;
	s25 =	sld [smem:$0x3FFE];
	[sflag:s24] =	ssyncadd.s32 $0xFFFFFFFF  }
0x23: {  	s27 =	simm.s32 $execute0_lowered;
	[smem:$0x3FD2] =	sst s26  }
0x24: {  	s5 =	sshll.u32 s27, $0x1;
	_ =	strace $0x80000049;
	[dreg:$0x1] =	wrdreg $0xFFFFFFFF  }
0x25: {  	s28 =	simm.s32 $_size_execute0_lowered;
	s3 =	sadd.s32 s3, s5;
	[dreg:$0x0] =	wrdreg $0x0  }
0x26: {  	s5 =	sshll.u32 s28, $0x1;
	[dreg:$0x2] =	wrdreg s3  }
0x27: {  	[dreg:$0x3] =	wrdreg s5  }
0x28: {  	[dreg:$0x4] =	wrdreg $0xC0  }
0x29: {  	_ =	task [dreg:s7], $0x5FFFF  }
0x2a: {  	[dreg:$0x1] =	wrdreg $0xFFFFFFFF  }
0x2b: {  	[dreg:$0x0] =	wrdreg $0x60  }
0x2c: {  	[dreg:$0x2] =	wrdreg s17  }
0x2d: {  	[dreg:$0x3] =	wrdreg s25  }
0x2e: {  	[dreg:$0x4] =	wrdreg $0x9  }
0x2f: {  	_ =	task.clear_ibuf [dreg:s7], $0x5FFFF;
	_ =	strace $0x90000049  }
0x30: {  	s29 =	simm.s32 $0x9;
	_ =	strace $0x8000004B  }
0x31: {  	_ =	swait.ge [sflag:s29], $0x1  }
0x32: {  	[sflag:s29] =	ssyncadd.s32 $0xFFFFFFFF  }
0x33: {  	_ =	strace $0x9000004B  }
0x34: {  	_ =	sfence  }
0x35: {  	s30 =	sld [smem:$0x0];
	_ =	sdelay $0x2  }
0x36: {  	s31 =	sshll.u32 s1, $0xD;
	s1 =	sshrl.u32 s1, $0x2  }
0x37: {  	s3 =	sand.u32 $0x4000, s31;
	s1 =	sadd.s32 s1, s30  }
0x38: {  	s0 =	sor.u32 s3, s0;
	s1 =	sshll.u32 s1, $0x11  }
0x39: {  	s0 =	sor.u32 s1, s0  }
0x3a: {  	s0 =	sadd.s32 $0x8F2B, s0  }
0x3b: {  	[sflag:s0] =	ssyncadd.remote.s32 $0x1  }
0x3c: {  	_ =	sfence.sel $0xFFFF  }
0x3d: {  	[dreg:$0x0] =	wrdreg $0xFFFFFFFF;
	(pc) =	sbr.abs _section_cstart, $3  }
0x3e: {  	[dreg:$0x1] =	wrdreg $0xFFFFFFFF  }
0x3f: {  	_ =	task.clear_ibuf [dreg:s7], $0x2FFFF;
	_ =	strace $0x9FFFFFFF  }
0x40: {  	(tm) =	ssettm $0x7FFFFFFF  }
0x41: {  	_ =	shalt  }
tec
execute0_lowered:
.L_overlay_start_1:
0x0: {  	(tag) =	ssettag $0x1  }
0x1: {  	s0 =	stileid.u32;
	s1 =	srdreg.scid  }
0x2: {  	s4 =	rddreg [dreg:$0x1];
	s7 =	simm.s32 $0x1;
	s31 =	simm.s32 $0x2  }
0x3: {  	s17 =	simm.s32 $0x0;
	s9 =	simm.s32 $0x4000;
	s18 =	simm.s32 $0x0  }
0x4: {  	s19 =	simm.s32 $0x0;
	s2 =	sshll.u32 s0, $0x4;
	s1 =	sshll.u32 s1, $0x8  }
0x5: {  	s10 =	simm.s32 $0x0;
	s11 =	simm.s32 $0x0;
	s1 =	sor.u32 s2, s1  }
0x6: {  	s12 =	simm.s32 $0x0;
	s13 =	simm.s32 $0x0;
	s3 =	sand.u32 $0x180, s1  }
0x7: {  	s16 =	simm.s32 $0x0;
	s2 =	rddreg [dreg:$0x0];
	s5 =	ssub.s32 $0x200, s3  }
0x8: {  	s4 =	sadd.s32 $0x211E00, s4;
	s1 =	rddreg [dreg:$0x2];
	s6 =	sand.u32 $0x180, s5  }
.Ltmp0:
0x9: {  	_ =	strace $0x8000004A;
	p0 =	sne.s32 s6, $0x0;
	(pc) =	sbr.rel .LBB1_1-.Ltmp0, $4  }
0xa: {  	s14 =	smov.u32 s3;
	s8 =	sshrl.u32 s5, $0x9;
	s7 =	simm.s32 @!p0 $0x0  }
0xb: {  	s5 =	sand.u32 $0x7, s0;
	s6 =	simm.s32 $0x1;
	s7 =	sadd.s32 s7, s8  }
0xc: {  	s15 =	smov.u32 s5;
	[sflag:s6] =	ssyncpa.u1 $0x0;
	s7 =	sshll.u32 s7, $0x5  }
0xd: {  	p0 =	por $0x0, $0x0;
	[sflag:s31] =	ssyncpa.u1 $0x0;
	s8 =	sor.u32 $0x1, s7  }
.LBB1_4:
0xe: {  	s25 =	sshll.u32 s10, $0x9;
	s26 =	sshll.u32 s11, $0x3;
	s24 =	sshra.s32 s24, $0x2  }
0xf: {  	p1 =	sgt.s32 s12, $0x7;
	s27 =	smov.u32 s12;
	s28 =	sshra.s32 s12, $0x1F  }
0x10: {  	p2 =	sgt.s32 s11, $0x180;
	s30 =	sshra.s32 s11, $0x1F;
	s25 =	sand.u32 $0x3000, s25  }
0x11: {  	s26 =	sand.u32 $0x3C00, s26;
	s27 =	simm.s32 @!p1 $0x7;
	s28 =	sand.u32 s28, s12  }
0x12: {  	s23 =	sadd.s32 s24, s23;
	s25 =	sadd.s32 s26, s25;
	s26 =	sshll.u32 s10, $0x7  }
0x13: {  	s31 =	sand.u32 s30, s11;
	s30 =	sshra.s32 s10, $0x1F;
	s29 =	sand.u32 $0x200, s26  }
0x14: {  	v5 =	vld [tilespmem:s21+$0xFFFFFFD0];
	s26 =	sand.u32 $0x180, s26;
	s24 =	sor.u32 s29, s25;
	s25 =	ssub.s32 s27, s28  }
0x15: {  	[tilespmem:s22+$0x2040 ss:$0x81] =	vst.msk $0xffff, v4;
	v58 =	vld [tilespmem:s21+$0xFFFFFFE0];
	s28 =	smov.u32 s11;
	s29 =	smov.u32 s10;
	s27 =	sadd.s32 $0xFFFFFFF9, s25  }
0x16: {  	[tilespmem:s22+$0x2850 ss:$0x81] =	vst.msk $0xffff, v3;
	v59 =	vld [tilespmem:s21+$0xFFFFFFF0];
	s28 =	simm.s32 @!p2 $0x180;
	p2 =	sgt.s32 s10, $0x1F;
	s25 =	ssub.s32 $0x8, s25  }
0x17: {  	[tilespmem:s22+$0x3060 ss:$0x81] =	vst.msk $0xffff, v2;
	v60 =	vld [tilespmem:s21+$0x0];
	p1 =	sgt.s32 s27, $0x0;
	s27 =	ssub.s32 s28, s31;
	s29 =	simm.s32 @!p2 $0x1F  }
0x18: {  	[tilespmem:s22+$0x0 ss:$0x81] =	vst.msk $0xffff, v1;
	v61 =	vld [tilespmem:s21+$0x10];
	s28 =	sand.u32 s30, s10;
	s22 =	smul.u32 $0x43, s25;
	s30 =	sand.u32 $0x78, s11  }
0x19: {  	v62 =	vld [tilespmem:s21+$0x20];
	[tilespmem:s23+$0x3870 ss:$0x81] =	vst.msk $0xffff, v0;
	s25 =	ssub.s32 s29, s28;
	s31 =	sadd.s32 $0xFFFFFE80, s27;
	s27 =	ssub.s32 $0x200, s27  }
0x1a: {  	v63 =	vld [tilespmem:s21+$0xFFFFFFC0];
	[tilespmem:s23+$0x810 ss:$0x81] =	vst.msk $0xffff, v5;
	s21 =	sor.u32 s30, s26;
	p2 =	sgt.s32 s31, $0x7F;
	s29 =	sadd.s32 $0xFFFFFFE1, s25  }
0x1b: {  	[tilespmem:s23+$0x1020 ss:$0x81] =	vst.msk $0xffff, v58;
	s22 =	simm.s32 @p1 $0x0;
	s31 =	smul.u32 $0x21800, s12;
	s27 =	simm.s32 @p2 $0x0  }
0x1c: {  	[tilespmem:s23+$0x1830 ss:$0x81] =	vst.msk $0xffff, v59;
	s25 =	ssub.s32 $0x20, s25;
	p3 =	sgt.s32 s29, $0x0;
	s22 =	smul.u32 s22, s27  }
0x1d: {  	[tilespmem:s23+$0x2040 ss:$0x81] =	vst.msk $0xffff, v60;
	s24 =	sshrl.u32 s24, $0x3;
	s21 =	sshrl.u32 s21, $0x3;
	s25 =	simm.s32 @p3 $0x0  }
0x1e: {  	[tilespmem:s23+$0x2850 ss:$0x81] =	vst.msk $0xffff, v61;
	s29 =	sand.u32 $0x7, s11;
	s28 =	sadd.s32 s4, s31;
	s22 =	smul.u32 s25, s22  }
0x1f: {  	[tilespmem:s23+$0x3060 ss:$0x81] =	vst.msk $0xffff, v62;
	s24 =	sand.u32 $0x7C0, s24;
	s30 =	sshll.u32 s29, $0x12;
	s21 =	sadd.s32 s21, s28  }
0x20: {  	[tilespmem:s23+$0x0 ss:$0x81] =	vst.msk $0xffff, v63;
	s31 =	sor.u32 $0x80, s30;
	s21 =	sadd.s32 s24, s21;
	s22 =	sand.u32 $0x3FFFFFFF, s22  }
0x21: {  	[hbm4b:s21+s31] =	stream.strided.scatter [tilespmem:s20], [sflag:$0x2], s22, s9, s31, $0x20;
	[tilespmem:$0x10100] =	vst v63  }
.LBB1_5:
0x22: {  	p1 =	slt.u32 s16, $0x2  }
0x23: {  	p2 =	sgt.s32 @!p1 s19, $0x7  }
0x24: {  	s20 =	smov.u32 s19;
	s21 =	sshra.s32 @!p1 s19, $0x1F;
	p2 =	por !p2, p1  }
0x25: {  	p3 =	sgt.s32 @!p1 s18, $0x180;
	s19 =	sand.u32 @!p1 s21, s19;
	s20 =	simm.s32 @p2 $0x7  }
0x26: {  	p3 =	por !p3, p1;
	s19 =	ssub.s32 @!p1 s20, s19  }
0x27: {  	s21 =	sshra.s32 @!p1 s18, $0x1F;
	s20 =	sadd.s32 @!p1 $0xFFFFFFF9, s19;
	s19 =	ssub.s32 @!p1 $0x8, s19  }
0x28: {  	p2 =	sgt.s32 @!p1 s20, $0x0;
	s19 =	smul.u32 @!p1 $0x43, s19;
	s20 =	smov.u32 s18  }
0x29: {  	s18 =	sand.u32 @!p1 s21, s18;
	s20 =	simm.s32 @p3 $0x180;
	p3 =	sgt.s32 @!p1 s17, $0x1F  }
0x2a: {  	s21 =	smov.u32 s17;
	p2 =	por !p2, p1;
	p3 =	por !p3, p1  }
0x2b: {  	s18 =	ssub.s32 @!p1 s20, s18;
	s20 =	sshra.s32 @!p1 s17, $0x1F;
	s19 =	simm.s32 @!p2 $0x0  }
0x2c: {  	s21 =	simm.s32 @p3 $0x1F;
	s17 =	sand.u32 @!p1 s20, s17;
	s20 =	sadd.s32 @!p1 $0xFFFFFE80, s18  }
0x2d: {  	s18 =	ssub.s32 @!p1 $0x200, s18;
	s17 =	ssub.s32 @!p1 s21, s17;
	p2 =	sgt.s32 @!p1 s20, $0x7F  }
0x2e: {  	s21 =	smov.u32 s14;
	s20 =	sadd.s32 @!p1 $0xFFFFFFE1, s17;
	p2 =	por !p2, p1  }
0x2f: {  	s17 =	ssub.s32 @!p1 $0x20, s17;
	p3 =	sgt.s32 @!p1 s20, $0x0;
	s18 =	simm.s32 @!p2 $0x0  }
0x30: {  	s20 =	sadd.s32 $0x1, s13;
	p2 =	por !p3, p1;
	s18 =	smul.u32 @!p1 s19, s18  }
0x31: {  	s19 =	sadd.s32 $0x200, s14;
	s17 =	simm.s32 @!p2 $0x0;
	p2 =	sgt.s32 s20, $0x1F  }
0x32: {  	s22 =	smov.u32 s15;
	s21 =	smov.u32 @p2 s19  }
0x33: {  	s17 =	smul.u32 @!p1 s17, s18;
	s18 =	sadd.s32 $0x8, s15;
	p3 =	sgt.s32 s21, $0x1FF  }
0x34: {  	p0 =	por !p0, !p0;
	s23 =	simm.s32 @!p1 $0x2;
	s22 =	smov.u32 @p3 s18  }
0x35: {  	s20 =	simm.s32 @p2 $0x0;
	s19 =	smov.u32 s12;
	p2 =	sgt.s32 s22, $0x7  }
0x36: {  	s12 =	smov.u32 s15;
	s22 =	smov.u32 @p2 s5;
	p2 =	sne.s32 s16, s8  }
.Ltmp1:
0x37: {  	s17 =	sand.u32 @!p1 $0x3FFFFFFF, s17;
	s21 =	smov.u32 @p3 s3;
	(pc) =	sbr.rel @!p2 .LBB1_6-.Ltmp1, $4  }
0x38: {  	s18 =	smov.u32 s11;
	s11 =	smov.u32 s14;
	_ =	swait.ge @!p1 [sflag:s23], s17  }
0x39: {  	s24 =	ssub.s32 @!p1 $0x0, s17;
	s17 =	smov.u32 s10;
	s10 =	smov.u32 s13  }
0x3a: {  	s13 =	smov.u32 s20;
	s14 =	smov.u32 s21;
	[sflag:s23] =	ssyncset.done @!p1 $0x0  }
0x3b: {  	s16 =	sadd.s32 $0x1, s16;
	[sflag:s23] =	ssyncadd.s32 @!p1 s24;
	s15 =	smov.u32 s22  }
.LBB1_1:
0x3c: {  	p1 =	sge.u32 s16, s7;
	s31 =	sadd.s32 $0xFFFFFFFF, s16  }
0x3d: {  	s20 =	sxor.u32 @!p1 $0xFFFFFFFF, s16;
	s21 =	sshll.u32 @!p1 s15, $0x12;
	s22 =	sshll.u32 @!p1 s14, $0x9  }
0x3e: {  	s23 =	sshll.u32 @!p1 s13, $0x4;
	s20 =	sshll.u32 @!p1 s20, $0xE;
	s21 =	sadd.s32 @!p1 s2, s21  }
0x3f: {  	s23 =	sand.u32 @!p1 $0x1F0, s23;
	s20 =	sand.u32 @!p1 $0x4000, s20;
	s21 =	sadd.s32 @!p1 s22, s21  }
0x40: {  	s22 =	simm.s32 @!p1 $0x80;
	s21 =	sadd.s32 @!p1 s23, s21;
	s23 =	simm.s32 @!p1 $0x1000  }
0x41: {  	[tilespmem:s20], [sflag:$0x1] =	stream.strided.gather @!p1 [hbm4b:s21+s22], $0x4000, s23, s22, $0x38;
	[tilespmem:$0x10100] =	vst v63  }
0x42: {  	p1 =	sge.u32 s31, s7  }
.Ltmp2:
0x43: {  	_ = 	snop;
	(pc) =	sbr.rel @p1 .LBB1_5-.Ltmp2, $1  }
0x44: {  	_ =	sdelay $0x3  }
0x45: {  	s20 =	simm.s32 $0x1  }
0x46: {  	_ =	swait.ge [sflag:s6], $0x4000;
	s20 =	simm.s32 @!p0 $0x0  }
0x47: {  	[sflag:s6] =	ssyncset.done $0x0;
	s21 =	sshll.u32 s20, $0xE  }
0x48: {  	[sflag:s6] =	ssyncadd.s32 $0xFFFFC000;
	s21 =	sor.u32 $0x40, s21  }
0x49: {  	s20 =	smul.u32 $0x10200, s20;
	v0 =	vld [tilespmem:s21+$0x30]  }
0x4a: {  	v1 =	vld [tilespmem:s21+$0xFFFFFFD0]  }
0x4b: {  	s20 =	sshrl.u32 s20, $0x2;
	v5 =	vld [tilespmem:s21+$0xFFFFFFE0]  }
0x4c: {  	v6 =	vld [tilespmem:s21+$0xFFFFFFF0];
	s23 =	sor.u32 $0x8000, s20  }
0x4d: {  	s31 =	sand.u32 $0x1, s16;
	v4 =	vld [tilespmem:s21+$0x0];
	s22 =	sadd.s32 $0x0, s23  }
0x4e: {  	v3 =	vld [tilespmem:s21+$0x10];
	s20 =	smul.u32 $0x10200, s31;
	[tilespmem:s22+$0x3870 ss:$0x81] =	vst.msk $0xffff, v0  }
0x4f: {  	v2 =	vld [tilespmem:s21+$0x20];
	[tilespmem:s22+$0x810 ss:$0x81] =	vst.msk $0xffff, v1  }
0x50: {  	s20 =	sshrl.u32 s20, $0x2;
	v1 =	vld [tilespmem:s21+$0xFFFFFFC0];
	[tilespmem:s22+$0x1020 ss:$0x81] =	vst.msk $0xffff, v5;
	s21 =	sadd.s32 $0x80, s21  }
0x51: {  	s24 =	simm.s32 $0x4;
	s25 =	simm.s32 $0x8;
	s20 =	sor.u32 $0x8000, s20;
	[tilespmem:s22+$0x1830 ss:$0x81] =	vst.msk $0xffff, v6;
	v0 =	vld [tilespmem:s21+$0x30]  }
.LBB1_3:
0x52: {  	p1 =	sne.s32 s25, $0x1FC;
	v5 =	vld [tilespmem:s21+$0xFFFFFFD0];
	[tilespmem:s22+$0x2040 ss:$0x81] =	vst.msk $0xffff, v4  }
0x53: {  	v6 =	vld [tilespmem:s21+$0xFFFFFFE0];
	[tilespmem:s22+$0x2850 ss:$0x81] =	vst.msk $0xffff, v3  }
0x54: {  	s26 =	sshra.s32 s24, $0x2;
	s24 =	smov.u32 s25;
	v7 =	vld [tilespmem:s21+$0xFFFFFFF0];
	[tilespmem:s22+$0x3060 ss:$0x81] =	vst.msk $0xffff, v2  }
.Ltmp3:
0x55: {  	v4 =	vld [tilespmem:s21+$0x0];
	[tilespmem:s22+$0x0 ss:$0x81] =	vst.msk $0xffff, v1;
	s22 =	sadd.s32 s26, s23;
	(pc) =	sbr.rel @p1 .LBB1_3-.Ltmp3, $4  }
0x56: {  	v3 =	vld [tilespmem:s21+$0x10];
	[tilespmem:s22+$0x3870 ss:$0x81] =	vst.msk $0xffff, v0  }
0x57: {  	[tilespmem:s22+$0x810 ss:$0x81] =	vst.msk $0xffff, v5;
	v2 =	vld [tilespmem:s21+$0x20]  }
0x58: {  	v1 =	vld [tilespmem:s21+$0xFFFFFFC0];
	[tilespmem:s22+$0x1020 ss:$0x81] =	vst.msk $0xffff, v6;
	s21 =	sadd.s32 $0x80, s21  }
0x59: {  	s25 =	sadd.s32 $0x4, s25;
	v0 =	vld [tilespmem:s21+$0x30];
	[tilespmem:s22+$0x1830 ss:$0x81] =	vst.msk $0xffff, v7  }
.Ltmp4:
0x5a: {  	_ = 	snop;
	(pc) =	sbr.rel .LBB1_4-.Ltmp4, $1  }
0x5b: {  	_ =	sdelay $0x3  }
.LBB1_6:
0x5c: {  	_ =	sfence.sel $0x180000  }
0x5d: {  	s2 =	simm.s32 $0x1;
	[bflag:$0x0] =	sbarrier.arrive $0xFFFF  }
0x5e: {  	s31 =	simm.s32 $0x2;
	[sflag:s2] =	ssyncpa.u1 $0x1  }
0x5f: {  	[sflag:s31] =	ssyncpa.u1 $0x1  }
0x60: {  	p0 =	sne.s32 s0, $0x0;
	_ =	strace $0x9000004A  }
0x61: {  	s0 =	sadd.s32 @!p0 $0x100000, s1;
	[bflag:$0x2] =	sbarrier.arrive $0xFFFF  }
0x62: {  	[sflag:s0] =	ssyncadd.tile.s32 @!p0 $0x1;
	_ =	shalt  }
.Lfunc_end1:
_tile_overlayer_lowered:
.L_overlay_start_2:
0x63: {  	(tag) =	ssettag $0x2  }
0x64: {  	s0 =	rddreg [dreg:$0x0];
	s2 =	stileid.u32  }
0x65: {  	s1 =	rddreg [dreg:$0x1];
	p0 =	sne.s32 s2, $0x0  }
0x66: {  	s3 =	rddreg [dreg:$0x2];
	[bflag:$0x3] =	sbarrier.arrive $0xFFFF;
	s2 =	simm.s32 @!p0 $0x1C01  }
0x67: {  	[timem:s3], [sflag:s2] =	dma.local @!p0 [hbm:s0], s1  }
0x68: {  	s0 =	simm.s32 @!p0 $0x1  }
0x69: {  	_ =	swait.ge @!p0 [sflag:s0], s1  }
0x6a: {  	s1 =	ssub.s32 @!p0 $0x0, s1;
	[sflag:s0] =	ssyncset.done @!p0 $0x0  }
0x6b: {  	[sflag:s0] =	ssyncadd.s32 @!p0 s1  }
0x6c: {  	[bflag:$0x3] =	sbarrier.arrive $0xFFFF  }
0x6d: {  	_ =	shalt  }

</sc_bundles>
